<compile_context>
chip_gen: v7x
topology: tpu7x:2x2x1
jax: 0.10.2.dev20260603
libtpu: 0.0.44.dev20260713+nightly
codegen_flags: <defaults>
</compile_context>

<pallas_src>
import functools

import jax
import jax.numpy as jnp
from jax import lax
from jax.experimental import pallas as pl
from jax.experimental.pallas import tpu as pltpu
from jax.experimental.pallas import tpu_sc as plsc

NP_ = 16
NZ_ = 32
HID_ = 256
BLK_ = 512


def _tc_body(dirs_ref, depth_ref, z_ref, cost_ref, idx_ref, poses_ref,
             w1_ref, b1_ref, w2_ref, b2_ref, w3_ref, b3_ref, ps_ref):
    B = dirs_ref.shape[0]

    idx = idx_ref[...]
    onehot = (idx == lax.broadcasted_iota(jnp.int32, (B, NP_), 1)
              ).astype(jnp.float32)
    prow = jnp.dot(onehot, poses_ref[...],
                   preferred_element_type=jnp.float32)

    d = dirs_ref[...]
    dx, dy, dz = d[:, 0:1], d[:, 1:2], d[:, 2:3]
    dwx = prow[:, 0:1] * dx + prow[:, 1:2] * dy + prow[:, 2:3] * dz
    dwy = prow[:, 4:5] * dx + prow[:, 5:6] * dy + prow[:, 6:7] * dz
    dwz = prow[:, 8:9] * dx + prow[:, 9:10] * dy + prow[:, 10:11] * dz
    tx, ty, tz = prow[:, 3:4], prow[:, 7:8], prow[:, 11:12]

    w1 = w1_ref[...]
    a = tx * w1[0:1, :] + ty * w1[1:2, :] + tz * w1[2:3, :] + b1_ref[...]
    c = dwx * w1[0:1, :] + dwy * w1[1:2, :] + dwz * w1[2:3, :]

    z = z_ref[...]
    ab = a.astype(jnp.bfloat16)
    cb = c.astype(jnp.bfloat16)
    zb = z.astype(jnp.bfloat16)
    pre = ab[:, None, :] + zb[:, :, None] * cb[:, None, :]
    h1 = jnp.tanh(pre.reshape(B * NZ_, HID_)).astype(jnp.bfloat16)
    h2 = jnp.tanh(jnp.dot(h1, w2_ref[...],
                          preferred_element_type=jnp.float32) + b2_ref[...])
    s3 = (h2 * w3_ref[...]).reshape(B, NZ_, HID_)
    sdf = jnp.sum(s3, axis=-1) + b3_ref[0, 0]

    res = sdf - (depth_ref[...] - z)
    ps_ref[...] = jnp.mean(res * res, axis=1, keepdims=True) * cost_ref[...]


def _fused(dirs, depth2, z_vals, cost2, idx2, pf, w1, b1r, w2, b2r, w3r, b3r):
    n = dirs.shape[0]
    nb = n // BLK_
    fixed = lambda i: (0, 0)
    tok = lambda i: (i, 0)
    return pl.pallas_call(
        _tc_body,
        grid=(nb,),
        in_specs=[
            pl.BlockSpec((BLK_, 3), tok),
            pl.BlockSpec((BLK_, 1), tok),
            pl.BlockSpec((BLK_, NZ_), tok),
            pl.BlockSpec((BLK_, 1), tok),
            pl.BlockSpec((BLK_, 1), tok),
            pl.BlockSpec((NP_, 12), fixed),
            pl.BlockSpec((3, HID_), fixed),
            pl.BlockSpec((1, HID_), fixed),
            pl.BlockSpec((HID_, HID_), fixed),
            pl.BlockSpec((1, HID_), fixed),
            pl.BlockSpec((1, HID_), fixed),
            pl.BlockSpec((1, 1), fixed),
        ],
        out_specs=pl.BlockSpec((BLK_, 1), tok),
        out_shape=jax.ShapeDtypeStruct((n, 1), jnp.float32),
        compiler_params=pltpu.CompilerParams(
            dimension_semantics=("parallel",),
            vmem_limit_bytes=100 * 1024 * 1024),
    )(dirs, depth2, z_vals, cost2, idx2, pf, w1, b1r, w2, b2r, w3r, b3r)


SC_TILES = 16
SC_CHUNK = 32768 // SC_TILES


def _sc_segsum_body(vals_hbm, idx_hbm, part_hbm,
                    vals_v, idx_v, tot_v):
    s = lax.axis_index("s")
    base = s * SC_CHUNK
    pltpu.sync_copy(vals_hbm.at[pl.ds(base, SC_CHUNK)], vals_v)
    pltpu.sync_copy(idx_hbm.at[pl.ds(base, SC_CHUNK)], idx_v)

    def body(j, accs):
        vv = vals_v[pl.ds(j * 16, 16)]
        iv = idx_v[pl.ds(j * 16, 16)]
        return tuple(accs[p] + jnp.where(iv == p, vv, 0.0)
                     for p in range(NP_))

    accs = lax.fori_loop(0, SC_CHUNK // 16, body,
                         tuple(jnp.zeros((16,), jnp.float32)
                               for _ in range(NP_)))
    for p in range(NP_):
        tot_v[pl.ds(p * 16, 16)] = accs[p]
    pltpu.sync_copy(tot_v, part_hbm.at[s])


def _sc_segsum(vals, idx):
    mesh = plsc.VectorSubcoreMesh(core_axis_name="c", subcore_axis_name="s",
                                  num_cores=1)
    fn = functools.partial(
        pl.kernel,
        mesh=mesh,
        out_type=jax.ShapeDtypeStruct((SC_TILES, NP_ * 16), jnp.float32),
        scratch_types=[
            pltpu.VMEM((SC_CHUNK,), jnp.float32),
            pltpu.VMEM((SC_CHUNK,), jnp.int32),
            pltpu.VMEM((NP_ * 16,), jnp.float32),
        ],
    )(_sc_segsum_body)
    part = fn(vals, idx)
    return part.reshape(SC_TILES, NP_, 16).sum(axis=(0, 2))


def kernel(dirs_C_sample, depth_sample, z_vals, cost_mul, poses,
           W1, b1, W2, b2, W3, b3, indices_b):
    n = dirs_C_sample.shape[0]
    idx2 = indices_b.astype(jnp.int32).reshape(n, 1)
    depth2 = depth_sample.reshape(n, 1)
    cost2 = cost_mul.reshape(n, 1)
    pf = poses.reshape(NP_, 12)
    b1r = b1.reshape(1, HID_)
    b2r = b2.reshape(1, HID_)
    w3r = W3.reshape(1, HID_)
    b3r = b3.reshape(1, 1)
    per = _fused(dirs_C_sample, depth2, z_vals, cost2, idx2, pf,
                 W1, b1r, W2.astype(jnp.bfloat16), b2r, w3r, b3r)
    return _sc_segsum(per.reshape(n), indices_b.astype(jnp.int32))

# --- scband reference (transcript-rebuilt; emitter-appended) ---
"""Pipeline reference for scband-pose-optimizer-63608465654062 (READ-ONLY COPY).

The authoritative reference and input builder live on the scoring server;
editing this copy changes nothing except your own understanding.
"""

import jax, jax.numpy as jnp
import numpy as np

TOTAL_TOK = 32768  # batch 16 * max_seqlen 4096 / 2
N_POSES = 16
N_Z = 32
HID = 256


def setup_inputs(seed: int = 0) -> dict:
    key = jax.random.key(seed)
    ks = jax.random.split(key, 12)
    dirs = jax.random.normal(ks[0], (TOTAL_TOK, 3), dtype=jnp.float32)
    dirs = dirs / (jnp.linalg.norm(dirs, axis=-1, keepdims=True) + 1e-8)
    depth_sample = jax.random.uniform(ks[1], (TOTAL_TOK,), dtype=jnp.float32, minval=0.2, maxval=1.5)
    z_vals = jnp.sort(jax.random.uniform(ks[2], (TOTAL_TOK, N_Z), dtype=jnp.float32, minval=0.05, maxval=1.5), axis=-1)
    cost_mul = jax.random.uniform(ks[3], (TOTAL_TOK,), dtype=jnp.float32)
    indices_b = jnp.sort(jax.random.randint(ks[4], (TOTAL_TOK,), 0, N_POSES, dtype=jnp.int64))
    # SE3 pose batch [N_POSES, 3, 4]: near-identity rotation + random translation
    rot = jnp.eye(3, dtype=jnp.float32)[None, :, :] + 0.01 * jax.random.normal(ks[5], (N_POSES, 3, 3), dtype=jnp.float32)
    trans = 0.1 * jax.random.normal(ks[6], (N_POSES, 3, 1), dtype=jnp.float32)
    poses = jnp.concatenate([rot, trans], axis=-1)
    # frozen SDF map approximated by an MLP (frozen_sdf_map)
    W1 = 0.5 * jax.random.normal(ks[7], (3, HID), dtype=jnp.float32)
    b1 = jnp.zeros((HID,), dtype=jnp.float32)
    W2 = (1.0 / np.sqrt(HID)) * jax.random.normal(ks[8], (HID, HID), dtype=jnp.float32)
    b2 = jnp.zeros((HID,), dtype=jnp.float32)
    W3 = (1.0 / np.sqrt(HID)) * jax.random.normal(ks[9], (HID, 1), dtype=jnp.float32)
    b3 = jnp.zeros((1,), dtype=jnp.float32)
    return {
        'dirs_C_sample': dirs, 'depth_sample': depth_sample, 'z_vals': z_vals,
        'cost_mul': cost_mul, 'poses': poses,
        'W1': W1, 'b1': b1, 'W2': W2, 'b2': b2, 'W3': W3, 'b3': b3,
        'indices_b': indices_b,
    }


def reference(dirs_C_sample, depth_sample, z_vals, cost_mul, poses, W1, b1, W2, b2, W3, b3, indices_b):
    # Ragged per-pose SDF rendering cost, as in PoseOptimizer's sample-based
    # pose cost: gather each sample's pose (ragged indices_b), transform ray
    # dirs into world frame, sample points along rays, query the frozen SDF
    # map (MLP), form weighted residuals, and segment-reduce per pose.
    P = poses[indices_b]                               # [N, 3, 4] gather by ragged pose index
    Rm = P[:, :, :3]                                   # [N, 3, 3]
    t = P[:, :, 3]                                     # [N, 3]
    dirs_W = jnp.einsum('nij,nj->ni', Rm, dirs_C_sample)  # [N, 3]
    pts = t[:, None, :] + dirs_W[:, None, :] * z_vals[:, :, None]  # [N, N_Z, 3]
    h = jnp.tanh(pts @ W1 + b1)
    h = jnp.tanh(h @ W2 + b2)
    sdf = (h @ W3 + b3)[..., 0]                        # [N, N_Z]
    target = depth_sample[:, None] - z_vals            # [N, N_Z] tsdf target along ray
    res = sdf - target
    per_sample = jnp.mean(res ** 2, axis=-1) * cost_mul  # [N]
    per_pose_cost = jax.ops.segment_sum(per_sample, indices_b, num_segments=N_POSES)  # [N_POSES]
    return per_pose_cost

if __name__ == "__main__":
    import jax
    _d = setup_inputs()
    print(jax.jit(kernel)(*tuple(_d.values())))

</pallas_src>

<mosaic_0001>
#map = affine_map<(d0, d1) -> (0)>
#map1 = affine_map<(d0, d1) -> (0, 0)>
module attributes {stable_mosaic.version = 14 : i64} {
  func.func @_sc_segsum_body(%arg0: i32, %arg1: i32, %arg2: memref<32768xf32, #tpu.memory_space<hbm>>, %arg3: memref<32768xi32, #tpu.memory_space<hbm>>, %arg4: memref<16x256xf32, #tpu.memory_space<hbm>>, %arg5: memref<2048xf32, #tpu.memory_space<vmem>>, %arg6: memref<2048xi32, #tpu.memory_space<vmem>>, %arg7: memref<256xf32, #tpu.memory_space<vmem>>) attributes {dimension_semantics = [#tpu.dimension_semantics<core_parallel>, #tpu.dimension_semantics<subcore_parallel>], iteration_bounds = array<i64: 1, 16>, scalar_prefetch = 0 : i64, scratch_operands = 3 : i64, tpu.core_type = #tpu.core_type<sc_vector_subcore>, window_params = [{transform_indices = #map}, {transform_indices = #map}, {transform_indices = #map1}]} {
    %mul3A = arith.constant 2048 : i32
    %mul3A_0 = arith.muli %arg1, %mul3A : i32
    "tpu.region"() ({
      %run_scoped3A = tpu.sem_alloc : memref<!tpu.dma_semaphore, #tpu.memory_space<semaphore_mem>>
      %dma_start3A = tpu.memref_slice %arg2[%mul3A_0] : memref<32768xf32, #tpu.memory_space<hbm>> -> memref<2048xf32, #tpu.memory_space<hbm>>
      %dma_start3A_100 = tpu.memref_slice %arg2[%mul3A_0] : memref<32768xf32, #tpu.memory_space<hbm>> -> memref<2048xf32, #tpu.memory_space<hbm>>
      tpu.enqueue_dma source(%dma_start3A_100 : memref<2048xf32, #tpu.memory_space<hbm>>) target(%arg5 : memref<2048xf32, #tpu.memory_space<vmem>>) target_semaphore(%run_scoped3A : memref<!tpu.dma_semaphore, #tpu.memory_space<semaphore_mem>>)
      %dma_wait3A = tpu.memref_slice %arg2[%mul3A_0] : memref<32768xf32, #tpu.memory_space<hbm>> -> memref<2048xf32, #tpu.memory_space<hbm>>
      %dma_wait3A_101 = tpu.memref_slice %arg2[%mul3A_0] : memref<32768xf32, #tpu.memory_space<hbm>> -> memref<2048xf32, #tpu.memory_space<hbm>>
      tpu.wait_dma2 semaphore(%run_scoped3A : memref<!tpu.dma_semaphore, #tpu.memory_space<semaphore_mem>>) src(%dma_wait3A_101 : memref<2048xf32, #tpu.memory_space<hbm>>) dst(%arg5 : memref<2048xf32, #tpu.memory_space<vmem>>)
      tpu.yield
    }) : () -> ()
    "tpu.region"() ({
      %run_scoped3A = tpu.sem_alloc : memref<!tpu.dma_semaphore, #tpu.memory_space<semaphore_mem>>
      %dma_start3A = tpu.memref_slice %arg3[%mul3A_0] : memref<32768xi32, #tpu.memory_space<hbm>> -> memref<2048xi32, #tpu.memory_space<hbm>>
      %dma_start3A_100 = tpu.memref_slice %arg3[%mul3A_0] : memref<32768xi32, #tpu.memory_space<hbm>> -> memref<2048xi32, #tpu.memory_space<hbm>>
      tpu.enqueue_dma source(%dma_start3A_100 : memref<2048xi32, #tpu.memory_space<hbm>>) target(%arg6 : memref<2048xi32, #tpu.memory_space<vmem>>) target_semaphore(%run_scoped3A : memref<!tpu.dma_semaphore, #tpu.memory_space<semaphore_mem>>)
      %dma_wait3A = tpu.memref_slice %arg3[%mul3A_0] : memref<32768xi32, #tpu.memory_space<hbm>> -> memref<2048xi32, #tpu.memory_space<hbm>>
      %dma_wait3A_101 = tpu.memref_slice %arg3[%mul3A_0] : memref<32768xi32, #tpu.memory_space<hbm>> -> memref<2048xi32, #tpu.memory_space<hbm>>
      tpu.wait_dma2 semaphore(%run_scoped3A : memref<!tpu.dma_semaphore, #tpu.memory_space<semaphore_mem>>) src(%dma_wait3A_101 : memref<2048xi32, #tpu.memory_space<hbm>>) dst(%arg6 : memref<2048xi32, #tpu.memory_space<vmem>>)
      tpu.yield
    }) : () -> ()
    %broadcast_in_dim3A = arith.constant 0.000000e+00 : f32
    %broadcast_in_dim3A_1 = vector.broadcast %broadcast_in_dim3A : f32 to vector<16xf32>
    %broadcast_in_dim3A_2 = arith.constant 0.000000e+00 : f32
    %broadcast_in_dim3A_3 = vector.broadcast %broadcast_in_dim3A_2 : f32 to vector<16xf32>
    %broadcast_in_dim3A_4 = arith.constant 0.000000e+00 : f32
    %broadcast_in_dim3A_5 = vector.broadcast %broadcast_in_dim3A_4 : f32 to vector<16xf32>
    %broadcast_in_dim3A_6 = arith.constant 0.000000e+00 : f32
    %broadcast_in_dim3A_7 = vector.broadcast %broadcast_in_dim3A_6 : f32 to vector<16xf32>
    %broadcast_in_dim3A_8 = arith.constant 0.000000e+00 : f32
    %broadcast_in_dim3A_9 = vector.broadcast %broadcast_in_dim3A_8 : f32 to vector<16xf32>
    %broadcast_in_dim3A_10 = arith.constant 0.000000e+00 : f32
    %broadcast_in_dim3A_11 = vector.broadcast %broadcast_in_dim3A_10 : f32 to vector<16xf32>
    %broadcast_in_dim3A_12 = arith.constant 0.000000e+00 : f32
    %broadcast_in_dim3A_13 = vector.broadcast %broadcast_in_dim3A_12 : f32 to vector<16xf32>
    %broadcast_in_dim3A_14 = arith.constant 0.000000e+00 : f32
    %broadcast_in_dim3A_15 = vector.broadcast %broadcast_in_dim3A_14 : f32 to vector<16xf32>
    %broadcast_in_dim3A_16 = arith.constant 0.000000e+00 : f32
    %broadcast_in_dim3A_17 = vector.broadcast %broadcast_in_dim3A_16 : f32 to vector<16xf32>
    %broadcast_in_dim3A_18 = arith.constant 0.000000e+00 : f32
    %broadcast_in_dim3A_19 = vector.broadcast %broadcast_in_dim3A_18 : f32 to vector<16xf32>
    %broadcast_in_dim3A_20 = arith.constant 0.000000e+00 : f32
    %broadcast_in_dim3A_21 = vector.broadcast %broadcast_in_dim3A_20 : f32 to vector<16xf32>
    %broadcast_in_dim3A_22 = arith.constant 0.000000e+00 : f32
    %broadcast_in_dim3A_23 = vector.broadcast %broadcast_in_dim3A_22 : f32 to vector<16xf32>
    %broadcast_in_dim3A_24 = arith.constant 0.000000e+00 : f32
    %broadcast_in_dim3A_25 = vector.broadcast %broadcast_in_dim3A_24 : f32 to vector<16xf32>
    %broadcast_in_dim3A_26 = arith.constant 0.000000e+00 : f32
    %broadcast_in_dim3A_27 = vector.broadcast %broadcast_in_dim3A_26 : f32 to vector<16xf32>
    %broadcast_in_dim3A_28 = arith.constant 0.000000e+00 : f32
    %broadcast_in_dim3A_29 = vector.broadcast %broadcast_in_dim3A_28 : f32 to vector<16xf32>
    %broadcast_in_dim3A_30 = arith.constant 0.000000e+00 : f32
    %broadcast_in_dim3A_31 = vector.broadcast %broadcast_in_dim3A_30 : f32 to vector<16xf32>
    %scan3A = arith.constant 0 : i32
    %scan3A_32 = arith.constant 128 : i32
    %scan3A_33 = arith.addi %scan3A, %scan3A_32 : i32
    %scan3A_34 = arith.constant 1 : i32
    %scan3A_35:16 = scf.for %scan3A_100 = %scan3A to %scan3A_33 step %scan3A_34 iter_args(%scan3A_101 = %broadcast_in_dim3A_1, %scan3A_102 = %broadcast_in_dim3A_3, %scan3A_103 = %broadcast_in_dim3A_5, %scan3A_104 = %broadcast_in_dim3A_7, %scan3A_105 = %broadcast_in_dim3A_9, %scan3A_106 = %broadcast_in_dim3A_11, %scan3A_107 = %broadcast_in_dim3A_13, %scan3A_108 = %broadcast_in_dim3A_15, %scan3A_109 = %broadcast_in_dim3A_17, %scan3A_110 = %broadcast_in_dim3A_19, %scan3A_111 = %broadcast_in_dim3A_21, %scan3A_112 = %broadcast_in_dim3A_23, %scan3A_113 = %broadcast_in_dim3A_25, %scan3A_114 = %broadcast_in_dim3A_27, %scan3A_115 = %broadcast_in_dim3A_29, %scan3A_116 = %broadcast_in_dim3A_31) -> (vector<16xf32>, vector<16xf32>, vector<16xf32>, vector<16xf32>, vector<16xf32>, vector<16xf32>, vector<16xf32>, vector<16xf32>, vector<16xf32>, vector<16xf32>, vector<16xf32>, vector<16xf32>, vector<16xf32>, vector<16xf32>, vector<16xf32>, vector<16xf32>)  : i32 {
      %mul3A_117 = arith.constant 16 : i32
      %mul3A_118 = arith.muli %scan3A_100, %mul3A_117 : i32
      %get3A = arith.index_cast %mul3A_118 : i32 to index
      %get3A_119 = tpu.vector_load %arg5[%get3A] {strides = array<i32>} : memref<2048xf32, #tpu.memory_space<vmem>>, vector<16xf32>,
      %get3A_120 = vector.shape_cast %get3A_119 : vector<16xf32> to vector<16xf32>
      %mul3A_121 = arith.constant 16 : i32
      %mul3A_122 = arith.muli %scan3A_100, %mul3A_121 : i32
      %get3A_123 = arith.index_cast %mul3A_122 : i32 to index
      %get3A_124 = tpu.vector_load %arg6[%get3A_123] {strides = array<i32>} : memref<2048xi32, #tpu.memory_space<vmem>>, vector<16xi32>,
      %get3A_125 = vector.shape_cast %get3A_124 : vector<16xi32> to vector<16xi32>
      %eq3A = arith.constant 0 : i32
      %eq3A_126 = vector.broadcast %eq3A : i32 to vector<16xi32>
      %eq3A_127 = arith.cmpi eq, %get3A_125, %eq3A_126 : vector<16xi32>
      %jit3A = arith.constant 0.000000e+00 : f32
      %broadcast_in_dim3A_128 = vector.broadcast %jit3A : f32 to vector<16xf32>
      %select_n3A = arith.select %eq3A_127, %get3A_120, %broadcast_in_dim3A_128 : vector<16xi1>, vector<16xf32>
      %add3A = arith.addf %scan3A_101, %select_n3A : vector<16xf32>
      %eq3A_129 = arith.constant 1 : i32
      %eq3A_130 = vector.broadcast %eq3A_129 : i32 to vector<16xi32>
      %eq3A_131 = arith.cmpi eq, %get3A_125, %eq3A_130 : vector<16xi32>
      %jit3A_132 = arith.constant 0.000000e+00 : f32
      %broadcast_in_dim3A_133 = vector.broadcast %jit3A_132 : f32 to vector<16xf32>
      %select_n3A_134 = arith.select %eq3A_131, %get3A_120, %broadcast_in_dim3A_133 : vector<16xi1>, vector<16xf32>
      %add3A_135 = arith.addf %scan3A_102, %select_n3A_134 : vector<16xf32>
      %eq3A_136 = arith.constant 2 : i32
      %eq3A_137 = vector.broadcast %eq3A_136 : i32 to vector<16xi32>
      %eq3A_138 = arith.cmpi eq, %get3A_125, %eq3A_137 : vector<16xi32>
      %jit3A_139 = arith.constant 0.000000e+00 : f32
      %broadcast_in_dim3A_140 = vector.broadcast %jit3A_139 : f32 to vector<16xf32>
      %select_n3A_141 = arith.select %eq3A_138, %get3A_120, %broadcast_in_dim3A_140 : vector<16xi1>, vector<16xf32>
      %add3A_142 = arith.addf %scan3A_103, %select_n3A_141 : vector<16xf32>
      %eq3A_143 = arith.constant 3 : i32
      %eq3A_144 = vector.broadcast %eq3A_143 : i32 to vector<16xi32>
      %eq3A_145 = arith.cmpi eq, %get3A_125, %eq3A_144 : vector<16xi32>
      %jit3A_146 = arith.constant 0.000000e+00 : f32
      %broadcast_in_dim3A_147 = vector.broadcast %jit3A_146 : f32 to vector<16xf32>
      %select_n3A_148 = arith.select %eq3A_145, %get3A_120, %broadcast_in_dim3A_147 : vector<16xi1>, vector<16xf32>
      %add3A_149 = arith.addf %scan3A_104, %select_n3A_148 : vector<16xf32>
      %eq3A_150 = arith.constant 4 : i32
      %eq3A_151 = vector.broadcast %eq3A_150 : i32 to vector<16xi32>
      %eq3A_152 = arith.cmpi eq, %get3A_125, %eq3A_151 : vector<16xi32>
      %jit3A_153 = arith.constant 0.000000e+00 : f32
      %broadcast_in_dim3A_154 = vector.broadcast %jit3A_153 : f32 to vector<16xf32>
      %select_n3A_155 = arith.select %eq3A_152, %get3A_120, %broadcast_in_dim3A_154 : vector<16xi1>, vector<16xf32>
      %add3A_156 = arith.addf %scan3A_105, %select_n3A_155 : vector<16xf32>
      %eq3A_157 = arith.constant 5 : i32
      %eq3A_158 = vector.broadcast %eq3A_157 : i32 to vector<16xi32>
      %eq3A_159 = arith.cmpi eq, %get3A_125, %eq3A_158 : vector<16xi32>
      %jit3A_160 = arith.constant 0.000000e+00 : f32
      %broadcast_in_dim3A_161 = vector.broadcast %jit3A_160 : f32 to vector<16xf32>
      %select_n3A_162 = arith.select %eq3A_159, %get3A_120, %broadcast_in_dim3A_161 : vector<16xi1>, vector<16xf32>
      %add3A_163 = arith.addf %scan3A_106, %select_n3A_162 : vector<16xf32>
      %eq3A_164 = arith.constant 6 : i32
      %eq3A_165 = vector.broadcast %eq3A_164 : i32 to vector<16xi32>
      %eq3A_166 = arith.cmpi eq, %get3A_125, %eq3A_165 : vector<16xi32>
      %jit3A_167 = arith.constant 0.000000e+00 : f32
      %broadcast_in_dim3A_168 = vector.broadcast %jit3A_167 : f32 to vector<16xf32>
      %select_n3A_169 = arith.select %eq3A_166, %get3A_120, %broadcast_in_dim3A_168 : vector<16xi1>, vector<16xf32>
      %add3A_170 = arith.addf %scan3A_107, %select_n3A_169 : vector<16xf32>
      %eq3A_171 = arith.constant 7 : i32
      %eq3A_172 = vector.broadcast %eq3A_171 : i32 to vector<16xi32>
      %eq3A_173 = arith.cmpi eq, %get3A_125, %eq3A_172 : vector<16xi32>
      %jit3A_174 = arith.constant 0.000000e+00 : f32
      %broadcast_in_dim3A_175 = vector.broadcast %jit3A_174 : f32 to vector<16xf32>
      %select_n3A_176 = arith.select %eq3A_173, %get3A_120, %broadcast_in_dim3A_175 : vector<16xi1>, vector<16xf32>
      %add3A_177 = arith.addf %scan3A_108, %select_n3A_176 : vector<16xf32>
      %eq3A_178 = arith.constant 8 : i32
      %eq3A_179 = vector.broadcast %eq3A_178 : i32 to vector<16xi32>
      %eq3A_180 = arith.cmpi eq, %get3A_125, %eq3A_179 : vector<16xi32>
      %jit3A_181 = arith.constant 0.000000e+00 : f32
      %broadcast_in_dim3A_182 = vector.broadcast %jit3A_181 : f32 to vector<16xf32>
      %select_n3A_183 = arith.select %eq3A_180, %get3A_120, %broadcast_in_dim3A_182 : vector<16xi1>, vector<16xf32>
      %add3A_184 = arith.addf %scan3A_109, %select_n3A_183 : vector<16xf32>
      %eq3A_185 = arith.constant 9 : i32
      %eq3A_186 = vector.broadcast %eq3A_185 : i32 to vector<16xi32>
      %eq3A_187 = arith.cmpi eq, %get3A_125, %eq3A_186 : vector<16xi32>
      %jit3A_188 = arith.constant 0.000000e+00 : f32
      %broadcast_in_dim3A_189 = vector.broadcast %jit3A_188 : f32 to vector<16xf32>
      %select_n3A_190 = arith.select %eq3A_187, %get3A_120, %broadcast_in_dim3A_189 : vector<16xi1>, vector<16xf32>
      %add3A_191 = arith.addf %scan3A_110, %select_n3A_190 : vector<16xf32>
      %eq3A_192 = arith.constant 10 : i32
      %eq3A_193 = vector.broadcast %eq3A_192 : i32 to vector<16xi32>
      %eq3A_194 = arith.cmpi eq, %get3A_125, %eq3A_193 : vector<16xi32>
      %jit3A_195 = arith.constant 0.000000e+00 : f32
      %broadcast_in_dim3A_196 = vector.broadcast %jit3A_195 : f32 to vector<16xf32>
      %select_n3A_197 = arith.select %eq3A_194, %get3A_120, %broadcast_in_dim3A_196 : vector<16xi1>, vector<16xf32>
      %add3A_198 = arith.addf %scan3A_111, %select_n3A_197 : vector<16xf32>
      %eq3A_199 = arith.constant 11 : i32
      %eq3A_200 = vector.broadcast %eq3A_199 : i32 to vector<16xi32>
      %eq3A_201 = arith.cmpi eq, %get3A_125, %eq3A_200 : vector<16xi32>
      %jit3A_202 = arith.constant 0.000000e+00 : f32
      %broadcast_in_dim3A_203 = vector.broadcast %jit3A_202 : f32 to vector<16xf32>
      %select_n3A_204 = arith.select %eq3A_201, %get3A_120, %broadcast_in_dim3A_203 : vector<16xi1>, vector<16xf32>
      %add3A_205 = arith.addf %scan3A_112, %select_n3A_204 : vector<16xf32>
      %eq3A_206 = arith.constant 12 : i32
      %eq3A_207 = vector.broadcast %eq3A_206 : i32 to vector<16xi32>
      %eq3A_208 = arith.cmpi eq, %get3A_125, %eq3A_207 : vector<16xi32>
      %jit3A_209 = arith.constant 0.000000e+00 : f32
      %broadcast_in_dim3A_210 = vector.broadcast %jit3A_209 : f32 to vector<16xf32>
      %select_n3A_211 = arith.select %eq3A_208, %get3A_120, %broadcast_in_dim3A_210 : vector<16xi1>, vector<16xf32>
      %add3A_212 = arith.addf %scan3A_113, %select_n3A_211 : vector<16xf32>
      %eq3A_213 = arith.constant 13 : i32
      %eq3A_214 = vector.broadcast %eq3A_213 : i32 to vector<16xi32>
      %eq3A_215 = arith.cmpi eq, %get3A_125, %eq3A_214 : vector<16xi32>
      %jit3A_216 = arith.constant 0.000000e+00 : f32
      %broadcast_in_dim3A_217 = vector.broadcast %jit3A_216 : f32 to vector<16xf32>
      %select_n3A_218 = arith.select %eq3A_215, %get3A_120, %broadcast_in_dim3A_217 : vector<16xi1>, vector<16xf32>
      %add3A_219 = arith.addf %scan3A_114, %select_n3A_218 : vector<16xf32>
      %eq3A_220 = arith.constant 14 : i32
      %eq3A_221 = vector.broadcast %eq3A_220 : i32 to vector<16xi32>
      %eq3A_222 = arith.cmpi eq, %get3A_125, %eq3A_221 : vector<16xi32>
      %jit3A_223 = arith.constant 0.000000e+00 : f32
      %broadcast_in_dim3A_224 = vector.broadcast %jit3A_223 : f32 to vector<16xf32>
      %select_n3A_225 = arith.select %eq3A_222, %get3A_120, %broadcast_in_dim3A_224 : vector<16xi1>, vector<16xf32>
      %add3A_226 = arith.addf %scan3A_115, %select_n3A_225 : vector<16xf32>
      %eq3A_227 = arith.constant 15 : i32
      %eq3A_228 = vector.broadcast %eq3A_227 : i32 to vector<16xi32>
      %eq3A_229 = arith.cmpi eq, %get3A_125, %eq3A_228 : vector<16xi32>
      %jit3A_230 = arith.constant 0.000000e+00 : f32
      %broadcast_in_dim3A_231 = vector.broadcast %jit3A_230 : f32 to vector<16xf32>
      %select_n3A_232 = arith.select %eq3A_229, %get3A_120, %broadcast_in_dim3A_231 : vector<16xi1>, vector<16xf32>
      %add3A_233 = arith.addf %scan3A_116, %select_n3A_232 : vector<16xf32>
      scf.yield %add3A, %add3A_135, %add3A_142, %add3A_149, %add3A_156, %add3A_163, %add3A_170, %add3A_177, %add3A_184, %add3A_191, %add3A_198, %add3A_205, %add3A_212, %add3A_219, %add3A_226, %add3A_233 : vector<16xf32>, vector<16xf32>, vector<16xf32>, vector<16xf32>, vector<16xf32>, vector<16xf32>, vector<16xf32>, vector<16xf32>, vector<16xf32>, vector<16xf32>, vector<16xf32>, vector<16xf32>, vector<16xf32>, vector<16xf32>, vector<16xf32>, vector<16xf32>
    }
    %scan3A_36 = arith.constant 128 : i32
    %swap3A = arith.constant 0 : index
    %swap3A_37 = tpu.vector_load %arg7[%swap3A] {strides = array<i32>} : memref<256xf32, #tpu.memory_space<vmem>>, vector<16xf32>,
    %swap3A_38 = vector.shape_cast %swap3A_37 : vector<16xf32> to vector<16xf32>
    %swap3A_39 = vector.shape_cast %scan3A_35#0 : vector<16xf32> to vector<16xf32>
    tpu.vector_store %arg7[%swap3A], %swap3A_39 {strides = array<i32>} : memref<256xf32, #tpu.memory_space<vmem>>, vector<16xf32>,
    %swap3A_40 = arith.constant 16 : index
    %swap3A_41 = tpu.vector_load %arg7[%swap3A_40] {strides = array<i32>} : memref<256xf32, #tpu.memory_space<vmem>>, vector<16xf32>,
    %swap3A_42 = vector.shape_cast %swap3A_41 : vector<16xf32> to vector<16xf32>
    %swap3A_43 = vector.shape_cast %scan3A_35#1 : vector<16xf32> to vector<16xf32>
    tpu.vector_store %arg7[%swap3A_40], %swap3A_43 {strides = array<i32>} : memref<256xf32, #tpu.memory_space<vmem>>, vector<16xf32>,
    %swap3A_44 = arith.constant 32 : index
    %swap3A_45 = tpu.vector_load %arg7[%swap3A_44] {strides = array<i32>} : memref<256xf32, #tpu.memory_space<vmem>>, vector<16xf32>,
    %swap3A_46 = vector.shape_cast %swap3A_45 : vector<16xf32> to vector<16xf32>
    %swap3A_47 = vector.shape_cast %scan3A_35#2 : vector<16xf32> to vector<16xf32>
    tpu.vector_store %arg7[%swap3A_44], %swap3A_47 {strides = array<i32>} : memref<256xf32, #tpu.memory_space<vmem>>, vector<16xf32>,
    %swap3A_48 = arith.constant 48 : index
    %swap3A_49 = tpu.vector_load %arg7[%swap3A_48] {strides = array<i32>} : memref<256xf32, #tpu.memory_space<vmem>>, vector<16xf32>,
    %swap3A_50 = vector.shape_cast %swap3A_49 : vector<16xf32> to vector<16xf32>
    %swap3A_51 = vector.shape_cast %scan3A_35#3 : vector<16xf32> to vector<16xf32>
    tpu.vector_store %arg7[%swap3A_48], %swap3A_51 {strides = array<i32>} : memref<256xf32, #tpu.memory_space<vmem>>, vector<16xf32>,
    %swap3A_52 = arith.constant 64 : index
    %swap3A_53 = tpu.vector_load %arg7[%swap3A_52] {strides = array<i32>} : memref<256xf32, #tpu.memory_space<vmem>>, vector<16xf32>,
    %swap3A_54 = vector.shape_cast %swap3A_53 : vector<16xf32> to vector<16xf32>
    %swap3A_55 = vector.shape_cast %scan3A_35#4 : vector<16xf32> to vector<16xf32>
    tpu.vector_store %arg7[%swap3A_52], %swap3A_55 {strides = array<i32>} : memref<256xf32, #tpu.memory_space<vmem>>, vector<16xf32>,
    %swap3A_56 = arith.constant 80 : index
    %swap3A_57 = tpu.vector_load %arg7[%swap3A_56] {strides = array<i32>} : memref<256xf32, #tpu.memory_space<vmem>>, vector<16xf32>,
    %swap3A_58 = vector.shape_cast %swap3A_57 : vector<16xf32> to vector<16xf32>
    %swap3A_59 = vector.shape_cast %scan3A_35#5 : vector<16xf32> to vector<16xf32>
    tpu.vector_store %arg7[%swap3A_56], %swap3A_59 {strides = array<i32>} : memref<256xf32, #tpu.memory_space<vmem>>, vector<16xf32>,
    %swap3A_60 = arith.constant 96 : index
    %swap3A_61 = tpu.vector_load %arg7[%swap3A_60] {strides = array<i32>} : memref<256xf32, #tpu.memory_space<vmem>>, vector<16xf32>,
    %swap3A_62 = vector.shape_cast %swap3A_61 : vector<16xf32> to vector<16xf32>
    %swap3A_63 = vector.shape_cast %scan3A_35#6 : vector<16xf32> to vector<16xf32>
    tpu.vector_store %arg7[%swap3A_60], %swap3A_63 {strides = array<i32>} : memref<256xf32, #tpu.memory_space<vmem>>, vector<16xf32>,
    %swap3A_64 = arith.constant 112 : index
    %swap3A_65 = tpu.vector_load %arg7[%swap3A_64] {strides = array<i32>} : memref<256xf32, #tpu.memory_space<vmem>>, vector<16xf32>,
    %swap3A_66 = vector.shape_cast %swap3A_65 : vector<16xf32> to vector<16xf32>
    %swap3A_67 = vector.shape_cast %scan3A_35#7 : vector<16xf32> to vector<16xf32>
    tpu.vector_store %arg7[%swap3A_64], %swap3A_67 {strides = array<i32>} : memref<256xf32, #tpu.memory_space<vmem>>, vector<16xf32>,
    %swap3A_68 = arith.constant 128 : index
    %swap3A_69 = tpu.vector_load %arg7[%swap3A_68] {strides = array<i32>} : memref<256xf32, #tpu.memory_space<vmem>>, vector<16xf32>,
    %swap3A_70 = vector.shape_cast %swap3A_69 : vector<16xf32> to vector<16xf32>
    %swap3A_71 = vector.shape_cast %scan3A_35#8 : vector<16xf32> to vector<16xf32>
    tpu.vector_store %arg7[%swap3A_68], %swap3A_71 {strides = array<i32>} : memref<256xf32, #tpu.memory_space<vmem>>, vector<16xf32>,
    %swap3A_72 = arith.constant 144 : index
    %swap3A_73 = tpu.vector_load %arg7[%swap3A_72] {strides = array<i32>} : memref<256xf32, #tpu.memory_space<vmem>>, vector<16xf32>,
    %swap3A_74 = vector.shape_cast %swap3A_73 : vector<16xf32> to vector<16xf32>
    %swap3A_75 = vector.shape_cast %scan3A_35#9 : vector<16xf32> to vector<16xf32>
    tpu.vector_store %arg7[%swap3A_72], %swap3A_75 {strides = array<i32>} : memref<256xf32, #tpu.memory_space<vmem>>, vector<16xf32>,
    %swap3A_76 = arith.constant 160 : index
    %swap3A_77 = tpu.vector_load %arg7[%swap3A_76] {strides = array<i32>} : memref<256xf32, #tpu.memory_space<vmem>>, vector<16xf32>,
    %swap3A_78 = vector.shape_cast %swap3A_77 : vector<16xf32> to vector<16xf32>
    %swap3A_79 = vector.shape_cast %scan3A_35#10 : vector<16xf32> to vector<16xf32>
    tpu.vector_store %arg7[%swap3A_76], %swap3A_79 {strides = array<i32>} : memref<256xf32, #tpu.memory_space<vmem>>, vector<16xf32>,
    %swap3A_80 = arith.constant 176 : index
    %swap3A_81 = tpu.vector_load %arg7[%swap3A_80] {strides = array<i32>} : memref<256xf32, #tpu.memory_space<vmem>>, vector<16xf32>,
    %swap3A_82 = vector.shape_cast %swap3A_81 : vector<16xf32> to vector<16xf32>
    %swap3A_83 = vector.shape_cast %scan3A_35#11 : vector<16xf32> to vector<16xf32>
    tpu.vector_store %arg7[%swap3A_80], %swap3A_83 {strides = array<i32>} : memref<256xf32, #tpu.memory_space<vmem>>, vector<16xf32>,
    %swap3A_84 = arith.constant 192 : index
    %swap3A_85 = tpu.vector_load %arg7[%swap3A_84] {strides = array<i32>} : memref<256xf32, #tpu.memory_space<vmem>>, vector<16xf32>,
    %swap3A_86 = vector.shape_cast %swap3A_85 : vector<16xf32> to vector<16xf32>
    %swap3A_87 = vector.shape_cast %scan3A_35#12 : vector<16xf32> to vector<16xf32>
    tpu.vector_store %arg7[%swap3A_84], %swap3A_87 {strides = array<i32>} : memref<256xf32, #tpu.memory_space<vmem>>, vector<16xf32>,
    %swap3A_88 = arith.constant 208 : index
    %swap3A_89 = tpu.vector_load %arg7[%swap3A_88] {strides = array<i32>} : memref<256xf32, #tpu.memory_space<vmem>>, vector<16xf32>,
    %swap3A_90 = vector.shape_cast %swap3A_89 : vector<16xf32> to vector<16xf32>
    %swap3A_91 = vector.shape_cast %scan3A_35#13 : vector<16xf32> to vector<16xf32>
    tpu.vector_store %arg7[%swap3A_88], %swap3A_91 {strides = array<i32>} : memref<256xf32, #tpu.memory_space<vmem>>, vector<16xf32>,
    %swap3A_92 = arith.constant 224 : index
    %swap3A_93 = tpu.vector_load %arg7[%swap3A_92] {strides = array<i32>} : memref<256xf32, #tpu.memory_space<vmem>>, vector<16xf32>,
    %swap3A_94 = vector.shape_cast %swap3A_93 : vector<16xf32> to vector<16xf32>
    %swap3A_95 = vector.shape_cast %scan3A_35#14 : vector<16xf32> to vector<16xf32>
    tpu.vector_store %arg7[%swap3A_92], %swap3A_95 {strides = array<i32>} : memref<256xf32, #tpu.memory_space<vmem>>, vector<16xf32>,
    %swap3A_96 = arith.constant 240 : index
    %swap3A_97 = tpu.vector_load %arg7[%swap3A_96] {strides = array<i32>} : memref<256xf32, #tpu.memory_space<vmem>>, vector<16xf32>,
    %swap3A_98 = vector.shape_cast %swap3A_97 : vector<16xf32> to vector<16xf32>
    %swap3A_99 = vector.shape_cast %scan3A_35#15 : vector<16xf32> to vector<16xf32>
    tpu.vector_store %arg7[%swap3A_96], %swap3A_99 {strides = array<i32>} : memref<256xf32, #tpu.memory_space<vmem>>, vector<16xf32>,
    "tpu.region"() ({
      %run_scoped3A = tpu.sem_alloc : memref<!tpu.dma_semaphore, #tpu.memory_space<semaphore_mem>>
      %dma_start3A = arith.constant 0 : i32
      %dma_start3A_100 = tpu.memref_slice %arg4[%arg1, %dma_start3A] : memref<16x256xf32, #tpu.memory_space<hbm>> -> memref<1x256xf32, #tpu.memory_space<hbm>>
      %dma_start3A_101 = tpu.memref_squeeze %dma_start3A_100 : memref<1x256xf32, #tpu.memory_space<hbm>> -> memref<256xf32, #tpu.memory_space<hbm>>
      %dma_start3A_102 = arith.constant 0 : i32
      %dma_start3A_103 = tpu.memref_slice %arg4[%arg1, %dma_start3A_102] : memref<16x256xf32, #tpu.memory_space<hbm>> -> memref<1x256xf32, #tpu.memory_space<hbm>>
      %dma_start3A_104 = tpu.memref_squeeze %dma_start3A_103 : memref<1x256xf32, #tpu.memory_space<hbm>> -> memref<256xf32, #tpu.memory_space<hbm>>
      tpu.enqueue_dma source(%arg7 : memref<256xf32, #tpu.memory_space<vmem>>) target(%dma_start3A_104 : memref<256xf32, #tpu.memory_space<hbm>>) target_semaphore(%run_scoped3A : memref<!tpu.dma_semaphore, #tpu.memory_space<semaphore_mem>>)
      %dma_wait3A = arith.constant 0 : i32
      %dma_wait3A_105 = tpu.memref_slice %arg4[%arg1, %dma_wait3A] : memref<16x256xf32, #tpu.memory_space<hbm>> -> memref<1x256xf32, #tpu.memory_space<hbm>>
      %dma_wait3A_106 = tpu.memref_squeeze %dma_wait3A_105 : memref<1x256xf32, #tpu.memory_space<hbm>> -> memref<256xf32, #tpu.memory_space<hbm>>
      %dma_wait3A_107 = arith.constant 0 : i32
      %dma_wait3A_108 = tpu.memref_slice %arg4[%arg1, %dma_wait3A_107] : memref<16x256xf32, #tpu.memory_space<hbm>> -> memref<1x256xf32, #tpu.memory_space<hbm>>
      %dma_wait3A_109 = tpu.memref_squeeze %dma_wait3A_108 : memref<1x256xf32, #tpu.memory_space<hbm>> -> memref<256xf32, #tpu.memory_space<hbm>>
      tpu.wait_dma2 semaphore(%run_scoped3A : memref<!tpu.dma_semaphore, #tpu.memory_space<semaphore_mem>>) src(%arg7 : memref<256xf32, #tpu.memory_space<vmem>>) dst(%dma_wait3A_109 : memref<256xf32, #tpu.memory_space<hbm>>)
      tpu.yield
    }) : () -> ()
    return
  }
}

module attributes {stable_mosaic.version = 14 : i64} {
  func.func @_tc_body(%arg0: i32, %arg1: memref<512x3xf32, #tpu.memory_space<vmem>>, %arg2: memref<512x1xf32, #tpu.memory_space<vmem>>, %arg3: memref<512x32xf32, #tpu.memory_space<vmem>>, %arg4: memref<512x1xf32, #tpu.memory_space<vmem>>, %arg5: memref<512x1xi32, #tpu.memory_space<vmem>>, %arg6: memref<16x12xf32, #tpu.memory_space<vmem>>, %arg7: memref<3x256xf32, #tpu.memory_space<vmem>>, %arg8: memref<1x256xf32, #tpu.memory_space<vmem>>, %arg9: memref<256x256xbf16, #tpu.memory_space<vmem>>, %arg10: memref<1x256xf32, #tpu.memory_space<vmem>>, %arg11: memref<1x256xf32, #tpu.memory_space<vmem>>, %arg12: memref<1x1xf32, #tpu.memory_space<vmem>>, %arg13: memref<512x1xf32, #tpu.memory_space<vmem>>) attributes {dimension_semantics = [#tpu.dimension_semantics<parallel>], iteration_bounds = array<i64: 64>, scalar_prefetch = 0 : i64, scratch_operands = 0 : i64, tpu.core_type = #tpu.core_type<tc>, window_params = [{transform_indices = @transform_0, window_bounds = array<i64: 512, 3>}, {transform_indices = @transform_1, window_bounds = array<i64: 512, 1>}, {transform_indices = @transform_2, window_bounds = array<i64: 512, 32>}, {transform_indices = @transform_3, window_bounds = array<i64: 512, 1>}, {transform_indices = @transform_4, window_bounds = array<i64: 512, 1>}, {pipeline_mode = #tpu.pipeline_mode<synchronous>, transform_indices = @transform_5, window_bounds = array<i64: 16, 12>}, {pipeline_mode = #tpu.pipeline_mode<synchronous>, transform_indices = @transform_6, window_bounds = array<i64: 3, 256>}, {pipeline_mode = #tpu.pipeline_mode<synchronous>, transform_indices = @transform_7, window_bounds = array<i64: 1, 256>}, {pipeline_mode = #tpu.pipeline_mode<synchronous>, transform_indices = @transform_8, window_bounds = array<i64: 256, 256>}, {pipeline_mode = #tpu.pipeline_mode<synchronous>, transform_indices = @transform_9, window_bounds = array<i64: 1, 256>}, {pipeline_mode = #tpu.pipeline_mode<synchronous>, transform_indices = @transform_10, window_bounds = array<i64: 1, 256>}, {pipeline_mode = #tpu.pipeline_mode<synchronous>, transform_indices = @transform_11, window_bounds = array<i64: 1, 1>}, {transform_indices = @transform_12, window_bounds = array<i64: 512, 1>}]} {
    %get3A = arith.constant 0 : index
    %get3A_0 = arith.constant 0 : index
    %get3A_1 = vector.load %arg5[%get3A, %get3A_0] : memref<512x1xi32, #tpu.memory_space<vmem>>, vector<512x1xi32>
    %iota3A = tpu.iota {dimensions = array<i32: 1>} : vector<512x16xi32>
    %eq3A = vector.broadcast %get3A_1 : vector<512x1xi32> to vector<512x16xi32>
    %eq3A_2 = arith.cmpi eq, %eq3A, %iota3A : vector<512x16xi32>
    %convert_element_type3A = arith.extui %eq3A_2 : vector<512x16xi1> to vector<512x16xi32>
    %convert_element_type3A_3 = arith.sitofp %convert_element_type3A : vector<512x16xi32> to vector<512x16xf32>
    %get3A_4 = arith.constant 0 : index
    %get3A_5 = arith.constant 0 : index
    %get3A_6 = vector.load %arg6[%get3A_4, %get3A_5] : memref<16x12xf32, #tpu.memory_space<vmem>>, vector<16x12xf32>
    %dot_general3A = arith.constant dense<0.000000e+00> : vector<512x12xf32>
    %dot_general3A_7 = tpu.matmul %convert_element_type3A_3, %get3A_6, %dot_general3A {dimension_numbers = #tpu.dot_dimension_numbers<[1], [0], [0], [1], [0, 0, 1, 1], [], []>, transpose_lhs_hint = false} : vector<512x16xf32>, vector<16x12xf32>, vector<512x12xf32> -> vector<512x12xf32>
    %get3A_8 = arith.constant 0 : index
    %get3A_9 = arith.constant 0 : index
    %get3A_10 = vector.load %arg1[%get3A_8, %get3A_9] : memref<512x3xf32, #tpu.memory_space<vmem>>, vector<512x3xf32>
    %slice3A = vector.extract_strided_slice %get3A_10 {offsets = [0, 0], sizes = [512, 1], strides = [1, 1]} : vector<512x3xf32> to vector<512x1xf32>
    %slice3A_11 = vector.extract_strided_slice %get3A_10 {offsets = [0, 1], sizes = [512, 1], strides = [1, 1]} : vector<512x3xf32> to vector<512x1xf32>
    %slice3A_12 = vector.extract_strided_slice %get3A_10 {offsets = [0, 2], sizes = [512, 1], strides = [1, 1]} : vector<512x3xf32> to vector<512x1xf32>
    %slice3A_13 = vector.extract_strided_slice %dot_general3A_7 {offsets = [0, 0], sizes = [512, 1], strides = [1, 1]} : vector<512x12xf32> to vector<512x1xf32>
    %mul3A = arith.mulf %slice3A_13, %slice3A : vector<512x1xf32>
    %slice3A_14 = vector.extract_strided_slice %dot_general3A_7 {offsets = [0, 1], sizes = [512, 1], strides = [1, 1]} : vector<512x12xf32> to vector<512x1xf32>
    %mul3A_15 = arith.mulf %slice3A_14, %slice3A_11 : vector<512x1xf32>
    %add3A = arith.addf %mul3A, %mul3A_15 : vector<512x1xf32>
    %slice3A_16 = vector.extract_strided_slice %dot_general3A_7 {offsets = [0, 2], sizes = [512, 1], strides = [1, 1]} : vector<512x12xf32> to vector<512x1xf32>
    %mul3A_17 = arith.mulf %slice3A_16, %slice3A_12 : vector<512x1xf32>
    %add3A_18 = arith.addf %add3A, %mul3A_17 : vector<512x1xf32>
    %slice3A_19 = vector.extract_strided_slice %dot_general3A_7 {offsets = [0, 4], sizes = [512, 1], strides = [1, 1]} : vector<512x12xf32> to vector<512x1xf32>
    %mul3A_20 = arith.mulf %slice3A_19, %slice3A : vector<512x1xf32>
    %slice3A_21 = vector.extract_strided_slice %dot_general3A_7 {offsets = [0, 5], sizes = [512, 1], strides = [1, 1]} : vector<512x12xf32> to vector<512x1xf32>
    %mul3A_22 = arith.mulf %slice3A_21, %slice3A_11 : vector<512x1xf32>
    %add3A_23 = arith.addf %mul3A_20, %mul3A_22 : vector<512x1xf32>
    %slice3A_24 = vector.extract_strided_slice %dot_general3A_7 {offsets = [0, 6], sizes = [512, 1], strides = [1, 1]} : vector<512x12xf32> to vector<512x1xf32>
    %mul3A_25 = arith.mulf %slice3A_24, %slice3A_12 : vector<512x1xf32>
    %add3A_26 = arith.addf %add3A_23, %mul3A_25 : vector<512x1xf32>
    %slice3A_27 = vector.extract_strided_slice %dot_general3A_7 {offsets = [0, 8], sizes = [512, 1], strides = [1, 1]} : vector<512x12xf32> to vector<512x1xf32>
    %mul3A_28 = arith.mulf %slice3A_27, %slice3A : vector<512x1xf32>
    %slice3A_29 = vector.extract_strided_slice %dot_general3A_7 {offsets = [0, 9], sizes = [512, 1], strides = [1, 1]} : vector<512x12xf32> to vector<512x1xf32>
    %mul3A_30 = arith.mulf %slice3A_29, %slice3A_11 : vector<512x1xf32>
    %add3A_31 = arith.addf %mul3A_28, %mul3A_30 : vector<512x1xf32>
    %slice3A_32 = vector.extract_strided_slice %dot_general3A_7 {offsets = [0, 10], sizes = [512, 1], strides = [1, 1]} : vector<512x12xf32> to vector<512x1xf32>
    %mul3A_33 = arith.mulf %slice3A_32, %slice3A_12 : vector<512x1xf32>
    %add3A_34 = arith.addf %add3A_31, %mul3A_33 : vector<512x1xf32>
    %slice3A_35 = vector.extract_strided_slice %dot_general3A_7 {offsets = [0, 3], sizes = [512, 1], strides = [1, 1]} : vector<512x12xf32> to vector<512x1xf32>
    %slice3A_36 = vector.extract_strided_slice %dot_general3A_7 {offsets = [0, 7], sizes = [512, 1], strides = [1, 1]} : vector<512x12xf32> to vector<512x1xf32>
    %slice3A_37 = vector.extract_strided_slice %dot_general3A_7 {offsets = [0, 11], sizes = [512, 1], strides = [1, 1]} : vector<512x12xf32> to vector<512x1xf32>
    %get3A_38 = arith.constant 0 : index
    %get3A_39 = arith.constant 0 : index
    %get3A_40 = vector.load %arg7[%get3A_38, %get3A_39] : memref<3x256xf32, #tpu.memory_space<vmem>>, vector<3x256xf32>
    %slice3A_41 = vector.extract_strided_slice %get3A_40 {offsets = [0, 0], sizes = [1, 256], strides = [1, 1]} : vector<3x256xf32> to vector<1x256xf32>
    %mul3A_42 = vector.broadcast %slice3A_35 : vector<512x1xf32> to vector<512x256xf32>
    %mul3A_43 = vector.broadcast %slice3A_41 : vector<1x256xf32> to vector<512x256xf32>
    %mul3A_44 = arith.mulf %mul3A_42, %mul3A_43 : vector<512x256xf32>
    %slice3A_45 = vector.extract_strided_slice %get3A_40 {offsets = [1, 0], sizes = [1, 256], strides = [1, 1]} : vector<3x256xf32> to vector<1x256xf32>
    %mul3A_46 = vector.broadcast %slice3A_36 : vector<512x1xf32> to vector<512x256xf32>
    %mul3A_47 = vector.broadcast %slice3A_45 : vector<1x256xf32> to vector<512x256xf32>
    %mul3A_48 = arith.mulf %mul3A_46, %mul3A_47 : vector<512x256xf32>
    %add3A_49 = arith.addf %mul3A_44, %mul3A_48 : vector<512x256xf32>
    %slice3A_50 = vector.extract_strided_slice %get3A_40 {offsets = [2, 0], sizes = [1, 256], strides = [1, 1]} : vector<3x256xf32> to vector<1x256xf32>
    %mul3A_51 = vector.broadcast %slice3A_37 : vector<512x1xf32> to vector<512x256xf32>
    %mul3A_52 = vector.broadcast %slice3A_50 : vector<1x256xf32> to vector<512x256xf32>
    %mul3A_53 = arith.mulf %mul3A_51, %mul3A_52 : vector<512x256xf32>
    %add3A_54 = arith.addf %add3A_49, %mul3A_53 : vector<512x256xf32>
    %get3A_55 = arith.constant 0 : index
    %get3A_56 = arith.constant 0 : index
    %get3A_57 = vector.load %arg8[%get3A_55, %get3A_56] : memref<1x256xf32, #tpu.memory_space<vmem>>, vector<1x256xf32>
    %add3A_58 = vector.broadcast %get3A_57 : vector<1x256xf32> to vector<512x256xf32>
    %add3A_59 = arith.addf %add3A_54, %add3A_58 : vector<512x256xf32>
    %slice3A_60 = vector.extract_strided_slice %get3A_40 {offsets = [0, 0], sizes = [1, 256], strides = [1, 1]} : vector<3x256xf32> to vector<1x256xf32>
    %mul3A_61 = vector.broadcast %add3A_18 : vector<512x1xf32> to vector<512x256xf32>
    %mul3A_62 = vector.broadcast %slice3A_60 : vector<1x256xf32> to vector<512x256xf32>
    %mul3A_63 = arith.mulf %mul3A_61, %mul3A_62 : vector<512x256xf32>
    %slice3A_64 = vector.extract_strided_slice %get3A_40 {offsets = [1, 0], sizes = [1, 256], strides = [1, 1]} : vector<3x256xf32> to vector<1x256xf32>
    %mul3A_65 = vector.broadcast %add3A_26 : vector<512x1xf32> to vector<512x256xf32>
    %mul3A_66 = vector.broadcast %slice3A_64 : vector<1x256xf32> to vector<512x256xf32>
    %mul3A_67 = arith.mulf %mul3A_65, %mul3A_66 : vector<512x256xf32>
    %add3A_68 = arith.addf %mul3A_63, %mul3A_67 : vector<512x256xf32>
    %slice3A_69 = vector.extract_strided_slice %get3A_40 {offsets = [2, 0], sizes = [1, 256], strides = [1, 1]} : vector<3x256xf32> to vector<1x256xf32>
    %mul3A_70 = vector.broadcast %add3A_34 : vector<512x1xf32> to vector<512x256xf32>
    %mul3A_71 = vector.broadcast %slice3A_69 : vector<1x256xf32> to vector<512x256xf32>
    %mul3A_72 = arith.mulf %mul3A_70, %mul3A_71 : vector<512x256xf32>
    %add3A_73 = arith.addf %add3A_68, %mul3A_72 : vector<512x256xf32>
    %get3A_74 = arith.constant 0 : index
    %get3A_75 = arith.constant 0 : index
    %get3A_76 = vector.load %arg3[%get3A_74, %get3A_75] : memref<512x32xf32, #tpu.memory_space<vmem>>, vector<512x32xf32>
    %convert_element_type3A_77 = arith.truncf %add3A_59 : vector<512x256xf32> to vector<512x256xbf16>
    %convert_element_type3A_78 = arith.truncf %add3A_73 : vector<512x256xf32> to vector<512x256xbf16>
    %convert_element_type3A_79 = arith.truncf %get3A_76 : vector<512x32xf32> to vector<512x32xbf16>
    %broadcast_in_dim3A = vector.shape_cast %convert_element_type3A_77 : vector<512x256xbf16> to vector<512x1x256xbf16>
    %broadcast_in_dim3A_80 = vector.shape_cast %convert_element_type3A_79 : vector<512x32xbf16> to vector<512x32x1xbf16>
    %broadcast_in_dim3A_81 = vector.shape_cast %convert_element_type3A_78 : vector<512x256xbf16> to vector<512x1x256xbf16>
    %mul3A_82 = vector.broadcast %broadcast_in_dim3A_80 : vector<512x32x1xbf16> to vector<512x32x256xbf16>
    %mul3A_83 = vector.broadcast %broadcast_in_dim3A_81 : vector<512x1x256xbf16> to vector<512x32x256xbf16>
    %mul3A_84 = arith.mulf %mul3A_82, %mul3A_83 : vector<512x32x256xbf16>
    %add3A_85 = vector.broadcast %broadcast_in_dim3A : vector<512x1x256xbf16> to vector<512x32x256xbf16>
    %add3A_86 = arith.addf %add3A_85, %mul3A_84 : vector<512x32x256xbf16>
    %reshape3A = vector.shape_cast %add3A_86 : vector<512x32x256xbf16> to vector<16384x256xbf16>
    %tanh3A = math.tanh %reshape3A : vector<16384x256xbf16>
    %get3A_87 = arith.constant 0 : index
    %get3A_88 = arith.constant 0 : index
    %get3A_89 = vector.load %arg9[%get3A_87, %get3A_88] : memref<256x256xbf16, #tpu.memory_space<vmem>>, vector<256x256xbf16>
    %dot_general3A_90 = arith.constant dense<0.000000e+00> : vector<16384x256xf32>
    %dot_general3A_91 = tpu.matmul %tanh3A, %get3A_89, %dot_general3A_90 {dimension_numbers = #tpu.dot_dimension_numbers<[1], [0], [0], [1], [0, 0, 1, 1], [], []>, transpose_lhs_hint = false} : vector<16384x256xbf16>, vector<256x256xbf16>, vector<16384x256xf32> -> vector<16384x256xf32>
    %get3A_92 = arith.constant 0 : index
    %get3A_93 = arith.constant 0 : index
    %get3A_94 = vector.load %arg10[%get3A_92, %get3A_93] : memref<1x256xf32, #tpu.memory_space<vmem>>, vector<1x256xf32>
    %add3A_95 = vector.broadcast %get3A_94 : vector<1x256xf32> to vector<16384x256xf32>
    %add3A_96 = arith.addf %dot_general3A_91, %add3A_95 : vector<16384x256xf32>
    %tanh3A_97 = math.tanh %add3A_96 : vector<16384x256xf32>
    %get3A_98 = arith.constant 0 : index
    %get3A_99 = arith.constant 0 : index
    %get3A_100 = vector.load %arg11[%get3A_98, %get3A_99] : memref<1x256xf32, #tpu.memory_space<vmem>>, vector<1x256xf32>
    %mul3A_101 = vector.broadcast %get3A_100 : vector<1x256xf32> to vector<16384x256xf32>
    %mul3A_102 = arith.mulf %tanh3A_97, %mul3A_101 : vector<16384x256xf32>
    %reshape3A_103 = vector.shape_cast %mul3A_102 : vector<16384x256xf32> to vector<512x32x256xf32>
    %reduce_sum3A = arith.constant dense<0.000000e+00> : vector<512x32xf32>
    %reduce_sum3A_104 = vector.multi_reduction <add>, %reshape3A_103, %reduce_sum3A [2] : vector<512x32x256xf32> to vector<512x32xf32>
    %get3A_105 = arith.constant 0 : index
    %get3A_106 = arith.constant 0 : index
    %get3A_107 = vector.load %arg12[%get3A_105, %get3A_106] : memref<1x1xf32, #tpu.memory_space<vmem>>, vector<1x1xf32>
    %get3A_108 = vector.extract %get3A_107[0, 0] : f32 from vector<1x1xf32>
    %add3A_109 = vector.broadcast %get3A_108 : f32 to vector<512x32xf32>
    %add3A_110 = arith.addf %reduce_sum3A_104, %add3A_109 : vector<512x32xf32>
    %get3A_111 = arith.constant 0 : index
    %get3A_112 = arith.constant 0 : index
    %get3A_113 = vector.load %arg2[%get3A_111, %get3A_112] : memref<512x1xf32, #tpu.memory_space<vmem>>, vector<512x1xf32>
    %sub3A = vector.broadcast %get3A_113 : vector<512x1xf32> to vector<512x32xf32>
    %sub3A_114 = arith.subf %sub3A, %get3A_76 : vector<512x32xf32>
    %sub3A_115 = arith.subf %add3A_110, %sub3A_114 : vector<512x32xf32>
    %mul3A_116 = arith.mulf %sub3A_115, %sub3A_115 : vector<512x32xf32>
    %reduce_sum3A_117 = arith.constant dense<0.000000e+00> : vector<512xf32>
    %reduce_sum3A_118 = vector.multi_reduction <add>, %mul3A_116, %reduce_sum3A_117 [1] : vector<512x32xf32> to vector<512xf32>
    %broadcast_in_dim3A_119 = vector.shape_cast %reduce_sum3A_118 : vector<512xf32> to vector<512x1xf32>
    %div3A = arith.constant 3.200000e+01 : f32
    %div3A_120 = vector.broadcast %div3A : f32 to vector<512x1xf32>
    %div3A_121 = arith.divf %broadcast_in_dim3A_119, %div3A_120 : vector<512x1xf32>
    %get3A_122 = arith.constant 0 : index
    %get3A_123 = arith.constant 0 : index
    %get3A_124 = vector.load %arg4[%get3A_122, %get3A_123] : memref<512x1xf32, #tpu.memory_space<vmem>>, vector<512x1xf32>
    %mul3A_125 = arith.mulf %div3A_121, %get3A_124 : vector<512x1xf32>
    %swap3A = arith.constant 0 : index
    %swap3A_126 = arith.constant 0 : index
    %swap3A_127 = vector.load %arg13[%swap3A, %swap3A_126] : memref<512x1xf32, #tpu.memory_space<vmem>>, vector<512x1xf32>
    tpu.vector_store %arg13[%swap3A, %swap3A_126], %mul3A_125 {strides = array<i32>} : memref<512x1xf32, #tpu.memory_space<vmem>>, vector<512x1xf32>,
    return
  }
  func.func @transform_0(%arg0: i32) -> (i32, i32) {
    %c0_i32 = arith.constant 0 : i32
    %c0_i32_0 = arith.constant 0 : i32
    return %arg0, %c0_i32 : i32, i32
  }
  func.func @transform_1(%arg0: i32) -> (i32, i32) {
    %c0_i32 = arith.constant 0 : i32
    %c0_i32_0 = arith.constant 0 : i32
    return %arg0, %c0_i32 : i32, i32
  }
  func.func @transform_2(%arg0: i32) -> (i32, i32) {
    %c0_i32 = arith.constant 0 : i32
    %c0_i32_0 = arith.constant 0 : i32
    return %arg0, %c0_i32 : i32, i32
  }
  func.func @transform_3(%arg0: i32) -> (i32, i32) {
    %c0_i32 = arith.constant 0 : i32
    %c0_i32_0 = arith.constant 0 : i32
    return %arg0, %c0_i32 : i32, i32
  }
  func.func @transform_4(%arg0: i32) -> (i32, i32) {
    %c0_i32 = arith.constant 0 : i32
    %c0_i32_0 = arith.constant 0 : i32
    return %arg0, %c0_i32 : i32, i32
  }
  func.func @transform_5(%arg0: i32) -> (i32, i32) {
    %c0_i32 = arith.constant 0 : i32
    %c0_i32_0 = arith.constant 0 : i32
    %c0_i32_1 = arith.constant 0 : i32
    return %c0_i32, %c0_i32_0 : i32, i32
  }
  func.func @transform_6(%arg0: i32) -> (i32, i32) {
    %c0_i32 = arith.constant 0 : i32
    %c0_i32_0 = arith.constant 0 : i32
    %c0_i32_1 = arith.constant 0 : i32
    return %c0_i32, %c0_i32_0 : i32, i32
  }
  func.func @transform_7(%arg0: i32) -> (i32, i32) {
    %c0_i32 = arith.constant 0 : i32
    %c0_i32_0 = arith.constant 0 : i32
    %c0_i32_1 = arith.constant 0 : i32
    return %c0_i32, %c0_i32_0 : i32, i32
  }
  func.func @transform_8(%arg0: i32) -> (i32, i32) {
    %c0_i32 = arith.constant 0 : i32
    %c0_i32_0 = arith.constant 0 : i32
    %c0_i32_1 = arith.constant 0 : i32
    return %c0_i32, %c0_i32_0 : i32, i32
  }
  func.func @transform_9(%arg0: i32) -> (i32, i32) {
    %c0_i32 = arith.constant 0 : i32
    %c0_i32_0 = arith.constant 0 : i32
    %c0_i32_1 = arith.constant 0 : i32
    return %c0_i32, %c0_i32_0 : i32, i32
  }
  func.func @transform_10(%arg0: i32) -> (i32, i32) {
    %c0_i32 = arith.constant 0 : i32
    %c0_i32_0 = arith.constant 0 : i32
    %c0_i32_1 = arith.constant 0 : i32
    return %c0_i32, %c0_i32_0 : i32, i32
  }
  func.func @transform_11(%arg0: i32) -> (i32, i32) {
    %c0_i32 = arith.constant 0 : i32
    %c0_i32_0 = arith.constant 0 : i32
    %c0_i32_1 = arith.constant 0 : i32
    return %c0_i32, %c0_i32_0 : i32, i32
  }
  func.func @transform_12(%arg0: i32) -> (i32, i32) {
    %c0_i32 = arith.constant 0 : i32
    %c0_i32_0 = arith.constant 0 : i32
    return %arg0, %c0_i32 : i32, i32
  }
}

</mosaic_0001>

<sc_bundles>
// kernel: kernel.4.cloned.1.call-start
scs
__scs_entry_jumppad:
0x0: {  	(pc) =	sbr.rel $0x88, $3  }
0x1: {  	(tag) =	ssettag $0x0;
	lr =	simm.s32 $0x1  }
0x2: {  	[smem:$0x3F95] =	sst lr;
	_ =	strace $0xD0000000  }
0x3: {  	_ = 	snop  }
0x4: {  	_ = 	snop  }
0x5: {  	_ = 	snop  }
0x6: {  	_ = 	snop  }
0x7: {  	_ = 	snop  }
__scs_overlays_trampoline_lowered:
0x8: {  	[smem:$0x3FA4] =	sst s0  }
0x9: {  	[smem:$0x3FA5] =	sst s1  }
0xa: {  	[smem:$0x3FA6] =	sst s2  }
0xb: {  	[smem:$0x3FA7] =	sst s3  }
0xc: {  	[smem:$0x3FA8] =	sst s4  }
0xd: {  	[smem:$0x3FA9] =	sst s5  }
0xe: {  	[smem:$0x3FAA] =	sst s6  }
0xf: {  	[smem:$0x3FAB] =	sst s7  }
0x10: {  	[smem:$0x3FAC] =	sst s8  }
0x11: {  	[smem:$0x3FAD] =	sst s9;
	s0 =	simm.s32 @!p0 $0x0  }
0x12: {  	s1 =	sld [smem:$0x3F93];
	s0 =	simm.s32 @p0 $0x1  }
0x13: {  	[smem:$0x3FAE] =	sst s0;
	s0 =	simm.s32 @!p1 $0x0  }
0x14: {  	s2 =	sld [smem:$0x3F92];
	s0 =	simm.s32 @p1 $0x1  }
0x15: {  	[smem:$0x3FAF] =	sst s0;
	s0 =	simm.s32 @!p2 $0x0  }
0x16: {  	s3 =	sld [smem:$0x3FDB];
	s0 =	simm.s32 @p2 $0x1  }
0x17: {  	s4 =	simm.s32 $0x1BF5;
	[smem:$0x3FB1] =	sst s0  }
0x18: {  	s0 =	sld [smem:$0x3F94];
	_ =	swait.ge [sflag:s4], $0x0  }
0x19: {  	s7 =	sld [smem:$0x3F95]  }
0x1a: {  	s8 =	sadd.s32 $0xFFFFE003, lr  }
0x1b: {  	s9 =	sadd.s32 $0xFFFFFEF7, lr;
	s5 =	simm.s32 $0xFFFFFFFF;
	p2 =	slt.u32 s8, $0xFFFFF086  }
0x1c: {  	p1 =	slt.u32 s9, $0xF7A;
	s5 =	simm.s32 @!p2 $0x0  }
0x1d: {  	s5 =	simm.s32 @p1 $0x1;
	p0 =	seq.s32 s7, s2  }
0x1e: {  	s7 =	smul.u32 @!p0 $0xF7A, s2;
	p2 =	seq.s32 @!p0 s5, $0x0  }
0x1f: {  	s9 =	smul.u32 $0xF7A, s1;
	s8 =	simm.s32 @!p0 $0x1BF5;
	p2 =	por !p2, p0  }
0x20: {  	[sflag:s8] =	ssyncset.s32 @!p0 $0xFFFFF086;
	s6 =	sadd.s32 @!p0 s3, s7;
	s7 =	simm.s32 @!p0 $0x108  }
0x21: {  	s3 =	sadd.s32 s3, s9;
	s6 =	sadd.s32 @!p0 $0x88, s6;
	s7 =	simm.s32 @p2 $0x1082  }
0x22: {  	[simem:s7], [sflag:s8] =	dma.local @!p0 [hbm:s6], $0xF7A  }
0x23: {  	s9 =	sor.u32 $0xD0000000, s2;
	s6 =	simm.s32 $0x108;
	_ =	swait.ge @!p0 [sflag:s8], $0x0  }
0x24: {  	s3 =	sadd.s32 $0x88, s3;
	s6 =	simm.s32 @!p1 $0x1082;
	[sflag:s4] =	ssyncset.s32 $0xFFFFF086  }
0x25: {  	[simem:s6], [sflag:s4] =	dma.local [hbm:s3], $0xF7A  }
0x26: {  	[smem:$0x3F95] =	sst s1;
	(tag) =	ssettag s2;
	_ =	strace s9  }
0x27: {  	s1 =	sld [smem:$0x3FA5]  }
0x28: {  	s2 =	sld [smem:$0x3FA6]  }
0x29: {  	s4 =	sld [smem:$0x3FA8]  }
0x2a: {  	p0 =	seq.s32 s5, $0x0;
	s5 =	sld [smem:$0x3FA9]  }
0x2b: {  	s6 =	sld [smem:$0x3FAA]  }
0x2c: {  	s7 =	sld [smem:$0x3FAB]  }
0x2d: {  	s3 =	simm.s32 $0x108;
	s8 =	sld [smem:$0x3FAC]  }
0x2e: {  	s3 =	simm.s32 @!p0 $0x1082;
	s9 =	sld [smem:$0x3FAD]  }
0x2f: {  	lr =	sadd.s32 s0, s3;
	s0 =	sld [smem:$0x3FA4]  }
0x30: {  	s3 =	sld [smem:$0x3FA7]  }
0x31: {  	[smem:$0x3FB0] =	sst s10  }
0x32: {  	s10 =	sld [smem:$0x3FAE];
	_ =	sdelay $0x3  }
0x33: {  	p0 =	seq.s32 s10, $0x1;
	s10 =	sld [smem:$0x3FB0];
	_ =	sdelay $0x3  }
0x34: {  	[smem:$0x3FB0] =	sst s10  }
0x35: {  	s10 =	sld [smem:$0x3FAF];
	_ =	sdelay $0x3  }
0x36: {  	p1 =	seq.s32 s10, $0x1;
	s10 =	sld [smem:$0x3FB0];
	_ =	sdelay $0x3  }
0x37: {  	[smem:$0x3FB0] =	sst s10  }
0x38: {  	s10 =	sld [smem:$0x3FB1]  }
0x39: {  	_ = 	snop;
	(pc) =	sbr.ind lr, $3  }
0x3a: {  	_ = 	snop  }
0x3b: {  	_ = 	snop  }
0x3c: {  	p2 =	seq.s32 s10, $0x1;
	s10 =	sld [smem:$0x3FB0]  }
0x3d: {  	_ =	shalt  }
0x3e: {  	_ =	shalt  }
0x3f: {  	_ =	shalt  }
0x40: {  	_ =	shalt  }
0x41: {  	_ =	shalt  }
0x42: {  	_ =	shalt  }
0x43: {  	_ =	shalt  }
0x44: {  	_ =	shalt  }
0x45: {  	_ =	shalt  }
0x46: {  	_ =	shalt  }
0x47: {  	_ =	shalt  }
0x48: {  	_ =	shalt  }
0x49: {  	_ =	shalt  }
0x4a: {  	_ =	shalt  }
0x4b: {  	_ =	shalt  }
0x4c: {  	_ =	shalt  }
0x4d: {  	_ =	shalt  }
0x4e: {  	_ =	shalt  }
0x4f: {  	_ =	shalt  }
0x50: {  	_ =	shalt  }
0x51: {  	_ =	shalt  }
0x52: {  	_ =	shalt  }
0x53: {  	_ =	shalt  }
0x54: {  	_ =	shalt  }
0x55: {  	_ =	shalt  }
0x56: {  	_ =	shalt  }
0x57: {  	_ =	shalt  }
0x58: {  	_ =	shalt  }
0x59: {  	_ =	shalt  }
0x5a: {  	_ =	shalt  }
0x5b: {  	_ =	shalt  }
0x5c: {  	_ =	shalt  }
0x5d: {  	_ =	shalt  }
0x5e: {  	_ =	shalt  }
0x5f: {  	_ =	shalt  }
0x60: {  	_ =	shalt  }
0x61: {  	_ =	shalt  }
0x62: {  	_ =	shalt  }
0x63: {  	_ =	shalt  }
0x64: {  	_ =	shalt  }
0x65: {  	_ =	shalt  }
0x66: {  	_ =	shalt  }
0x67: {  	_ =	shalt  }
0x68: {  	_ =	shalt  }
0x69: {  	_ =	shalt  }
0x6a: {  	_ =	shalt  }
0x6b: {  	_ =	shalt  }
0x6c: {  	_ =	shalt  }
0x6d: {  	_ =	shalt  }
0x6e: {  	_ =	shalt  }
0x6f: {  	_ =	shalt  }
0x70: {  	_ =	shalt  }
0x71: {  	_ =	shalt  }
0x72: {  	_ =	shalt  }
0x73: {  	_ =	shalt  }
0x74: {  	_ =	shalt  }
0x75: {  	_ =	shalt  }
0x76: {  	_ =	shalt  }
0x77: {  	_ =	shalt  }
0x78: {  	_ =	shalt  }
0x79: {  	_ =	shalt  }
0x7a: {  	_ =	shalt  }
0x7b: {  	_ =	shalt  }
0x7c: {  	_ =	shalt  }
0x7d: {  	_ =	shalt  }
0x7e: {  	_ =	shalt  }
0x7f: {  	_ =	shalt  }
0x80: {  	_ =	shalt  }
0x81: {  	_ =	shalt  }
0x82: {  	_ =	shalt  }
0x83: {  	_ =	shalt  }
0x84: {  	_ =	shalt  }
0x85: {  	_ =	shalt  }
0x86: {  	_ =	shalt  }
0x87: {  	_ =	shalt  }
.Lfunc_end0:
.L_simem_size_0:
called_computation_lowered:
.L_overlay_start_0:
0x88: {  	s0 =	sld [smem:$0x3FD9]  }
0x89: {  	s1 =	sld [smem:$0x3FFE];
	_ =	sdelay $0x3  }
0x8a: {  	s0 =	sadd.s32 s1, s0  }
0x8b: {  	[smem:$0x3FBC] =	sst s0  }
0x8c: {  	_ = 	snop  }
0x8d: {  	s0 =	sld [smem:$0x3FBE];
	(tm) =	ssettm $0x1  }
0x8e: {  	s16 =	sld [smem:$0x3FFB];
	_ =	sdelay $0x3  }
0x8f: {  	_ =	strace s16  }
0x90: {  	s1 =	sld [smem:$0x3FFC];
	_ =	sdelay $0x3  }
0x91: {  	_ =	strace s1  }
0x92: {  	s1 =	sld [smem:$0x3FFD];
	_ =	sdelay $0x3  }
0x93: {  	_ =	strace s1  }
0x94: {  	_ =	strace $0x8FFFFFFF  }
0x95: {  	s17 =	sld [smem:$0x3FDB];
	_ =	sdelay $0x1  }
0x96: {  	s2 =	simm.s32 $_scs_section_size  }
0x97: {  	s3 =	simm.s32 $_size__tile_overlayer_lowered;
	s4 =	simm.s32 $_tile_overlayer_lowered  }
0x98: {  	s20 =	simm.s32 $0x1BFF;
	s19 =	sshll.u32 s4, $0x1;
	s1 =	sadd.s32 s2, s17  }
0x99: {  	s5 =	simm.s32 $0x0;
	s18 =	sshll.u32 s3, $0x1;
	s3 =	sadd.s32 s19, s1  }
0x9a: {  	[timem:s5], [sflag:s20] =	dma.local [hbm:s3], s18  }
0x9b: {  	_ =	swait.ge [sflag:s20], s18  }
0x9c: {  	s2 =	ssub.s32 $0x0, s18;
	[sflag:s20] =	ssyncset.done $0x0  }
0x9d: {  	[sflag:s20] =	ssyncadd.s32 s2;
	_ =	sdelay $0x1  }
0x9e: {  	s21 =	simm.s32 $0x1B8B  }
0x9f: {  	_ =	swait.ge [sflag:s21], $0x1  }
0xa0: {  	[sflag:s21] =	ssyncset.done $0x0  }
0xa1: {  	s23 =	simm.s32 $0x1B8E;
	s22 =	sld [smem:$0x3FFE];
	[sflag:s21] =	ssyncadd.s32 $0xFFFFFFFF  }
0xa2: {  	s24 =	simm.s32 $execute0_lowered;
	[smem:$0x3FD2] =	sst s23  }
0xa3: {  	s3 =	sshll.u32 s24, $0x1;
	_ =	strace $0x80000046;
	[dreg:$0x1] =	wrdreg $0xFFFFFFFF  }
0xa4: {  	s25 =	simm.s32 $_size_execute0_lowered;
	s1 =	sadd.s32 s1, s3;
	[dreg:$0x0] =	wrdreg $0x0  }
0xa5: {  	s3 =	sshll.u32 s25, $0x1;
	[dreg:$0x2] =	wrdreg s1  }
0xa6: {  	[dreg:$0x3] =	wrdreg s3  }
0xa7: {  	[dreg:$0x4] =	wrdreg $0xC0  }
0xa8: {  	_ =	task [dreg:s5], $0x5FFFF  }
0xa9: {  	[dreg:$0x1] =	wrdreg $0xFFFFFFFF  }
0xaa: {  	[dreg:$0x0] =	wrdreg $0x60  }
0xab: {  	[dreg:$0x2] =	wrdreg s22  }
0xac: {  	[dreg:$0x3] =	wrdreg s0  }
0xad: {  	[dreg:$0x4] =	wrdreg $0x9  }
0xae: {  	_ =	task.clear_ibuf [dreg:s5], $0x5FFFF;
	_ =	strace $0x90000046  }
0xaf: {  	s26 =	simm.s32 $0x9;
	_ =	strace $0x80000048  }
0xb0: {  	_ =	swait.ge [sflag:s26], $0x1  }
0xb1: {  	[sflag:s26] =	ssyncadd.s32 $0xFFFFFFFF  }
0xb2: {  	_ =	strace $0x90000048  }
0xb3: {  	_ =	sfence  }
0xb4: {  	s28 =	sld [smem:$0x0];
	_ =	sdelay $0x1  }
0xb5: {  	s29 =	srdreg.scid  }
0xb6: {  	s30 =	sshll.u32 s29, $0xD;
	s31 =	sshrl.u32 s29, $0x2  }
0xb7: {  	s2 =	sand.u32 $0x4000, s30;
	s1 =	sand.u32 $0x1, s29;
	s0 =	sadd.s32 s31, s28  }
0xb8: {  	s1 =	sor.u32 s2, s1;
	s0 =	sshll.u32 s0, $0x11  }
0xb9: {  	s0 =	sor.u32 s0, s1  }
0xba: {  	s0 =	sadd.s32 $0x8F2B, s0  }
0xbb: {  	[sflag:s0] =	ssyncadd.remote.s32 $0x1  }
0xbc: {  	_ =	sfence.sel $0xFFFF  }
0xbd: {  	[dreg:$0x0] =	wrdreg $0xFFFFFFFF;
	(pc) =	sbr.abs _section_cstart, $3  }
0xbe: {  	[dreg:$0x1] =	wrdreg $0xFFFFFFFF  }
0xbf: {  	_ =	task.clear_ibuf [dreg:s5], $0x2FFFF;
	_ =	strace $0x9FFFFFFF  }
0xc0: {  	(tm) =	ssettm $0x7FFFFFFF  }
0xc1: {  	_ =	shalt  }
tec
execute0_lowered:
.L_overlay_start_1:
0x0: {  	(tag) =	ssettag $0x1  }
0x1: {  	s3 =	rddreg [dreg:$0x0]  }
0x2: {  	s4 =	rddreg [dreg:$0x1]  }
0x3: {  	s0 =	rddreg [dreg:$0x2];
	s5 =	simm.s32 $0x0;
	s1 =	stileid.u32  }
0x4: {  	[smem:$0x7FF] =	sst s5;
	s2 =	sshll.u32 s1, $0x8  }
0x5: {  	s30 =	simm.s32 $0x1;
	_ =	strace $0x80000047;
	s6 =	sadd.s32 s3, s2  }
0x6: {  	[tilespmem:s5], [sflag:$0x1] =	stream.linear.gather [hbm4b:s6+s5], $0x800, $0x38;
	[tilespmem:$0x1100] =	vst v63  }
0x7: {  	_ =	swait.ge [sflag:s30], $0x800  }
0x8: {  	[sflag:s30] =	ssyncset.done $0x0  }
0x9: {  	s7 =	simm.s32 $0x800;
	s4 =	sadd.s32 s4, s2;
	[sflag:s30] =	ssyncadd.s32 $0xFFFFF800  }
0xa: {  	[tilespmem:s7], [sflag:$0x1] =	stream.linear.gather [hbm4b:s4+s5], $0x800, $0x38;
	[tilespmem:$0x1100] =	vst v63  }
0xb: {  	_ =	swait.ge [sflag:s30], $0x800  }
0xc: {  	[sflag:s30] =	ssyncset.done $0x0  }
0xd: {  	s31 =	simm.s32 $0x0;
	[sflag:s30] =	ssyncadd.s32 $0xFFFFF800  }
0xe: {  	v2 =	vld [tilespmem:s31+$0x800]  }
0xf: {  	v1 =	vimm.f32 $0.0e+00  }
0x10: {  	v6 =	vimm.f32 $0.0e+00;
	v15 =	vimm.f32 $0.0e+00;
	v16 =	vimm.f32 $0.0e+00  }
0x11: {  	v11 =	vimm.f32 $0.0e+00;
	v10 =	vimm.f32 $0.0e+00;
	v8 =	vimm.f32 $0.0e+00  }
0x12: {  	v14 =	vimm.f32 $0.0e+00;
	v13 =	vimm.f32 $0.0e+00;
	v18 =	vimm.f32 $0.0e+00;
	v0 =	vld [tilespmem:s31+$0x0]  }
0x13: {  	v9 =	vimm.f32 $0.0e+00;
	vm4 =	veq.s32 v2, $0x0;
	vm7 =	veq.s32 v2, $0x1  }
0x14: {  	vm0 =	veq.s32 v2, $0x3;
	vm1 =	veq.s32 v2, $0x4;
	vm3 =	veq.s32 v2, $0x6  }
0x15: {  	vm2 =	veq.s32 v2, $0x7;
	vm5 =	veq.s32 v2, $0x9;
	vm8 =	veq.s32 v2, $0xF  }
0x16: {  	vm9 =	veq.s32 v2, $0xA;
	vm10 =	veq.s32 v2, $0xB;
	vm6 =	veq.s32 v2, $0x2  }
0x17: {  	vm15 =	veq.s32 v2, $0xC;
	v3 =	vnsel vm0, $0x0, v0;
	v5 =	vnsel vm3, $0x0, v0  }
0x18: {  	vm0 =	veq.s32 v2, $0x8;
	vm3 =	veq.s32 v2, $0xE;
	v17 =	vnsel vm9, $0x0, v0  }
0x19: {  	v19 =	vnsel vm7, $0x0, v0;
	vm7 =	veq.s32 v2, $0x5;
	v12 =	vnsel vm8, $0x0, v0  }
0x1a: {  	v20 =	vnsel vm10, $0x0, v0;
	v4 =	vadd.f32 v3, v1;
	v21 =	vnsel vm7, $0x0, v0  }
0x1b: {  	v3 =	vnsel vm15, $0x0, v0;
	vm7 =	veq.s32 v2, $0xD;
	v7 =	vadd.f32 v5, v1  }
0x1c: {  	s3 =	sadd.s32 $0x1000, s3;
	s4 =	simm.s32 $0x40;
	v5 =	vimm.f32 $0.0e+00;
	v2 =	vadd.f32 v3, v1;
	v3 =	vimm.f32 $0.0e+00  }
.LBB2_1:
0x1d: {  	s5 =	sshra.s32 s4, $0x2;
	p0 =	sne.s32 s4, $0x1FC0;
	s4 =	sadd.s32 $0x40, s4;
	v22 =	vnsel vm4, $0x0, v0;
	v1 =	vadd.f32 v21, v1;
	v6 =	vadd.f32 v20, v6  }
0x1e: {  	v21 =	vnsel vm2, $0x0, v0;
	v20 =	vld [tilespmem:s5+$0x800];
	v15 =	vadd.f32 v22, v15;
	v22 =	vnsel vm5, $0x0, v0  }
0x1f: {  	v16 =	vadd.f32 v19, v16;
	v19 =	vnsel vm7, $0x0, v0;
	v23 =	vnsel vm3, $0x0, v0  }
0x20: {  	v24 =	vnsel vm1, $0x0, v0;
	v11 =	vadd.f32 v21, v11;
	v10 =	vadd.f32 v22, v10  }
0x21: {  	v8 =	vadd.f32 v17, v8;
	v5 =	vadd.f32 v23, v5;
	v22 =	vnsel vm6, $0x0, v0;
	v21 =	vld [tilespmem:s5+$0x0]  }
0x22: {  	v3 =	vadd.f32 v12, v3;
	v14 =	vadd.f32 v24, v14;
	v0 =	vnsel vm0, $0x0, v0  }
0x23: {  	v13 =	vadd.f32 v0, v13;
	vm4 =	veq.s32 v20, $0x0;
	vm7 =	veq.s32 v20, $0x1  }
0x24: {  	v18 =	vadd.f32 v22, v18;
	vm0 =	veq.s32 v20, $0x3;
	vm1 =	veq.s32 v20, $0x4  }
0x25: {  	v9 =	vadd.f32 v19, v9;
	vm3 =	veq.s32 v20, $0x6;
	vm2 =	veq.s32 v20, $0x7  }
0x26: {  	v12 =	vnsel vm0, $0x0, v21;
	v22 =	vnsel vm3, $0x0, v21;
	vm0 =	veq.s32 v20, $0x8;
	v0 =	vmovc v21  }
0x27: {  	vm5 =	veq.s32 v20, $0x9;
	vm8 =	veq.s32 v20, $0xF;
	v4 =	vadd.f32 v12, v4  }
.Ltmp0:
0x28: {  	vm9 =	veq.s32 v20, $0xA;
	vm10 =	veq.s32 v20, $0xB;
	vm3 =	veq.s32 v20, $0xE;
	(pc) =	sbr.rel @p0 .LBB2_1-.Ltmp0, $4  }
0x29: {  	vm6 =	veq.s32 v20, $0x2;
	v17 =	vnsel vm9, $0x0, v0;
	vm9 =	veq.s32 v20, $0xC  }
0x2a: {  	v19 =	vnsel vm7, $0x0, v0;
	vm7 =	veq.s32 v20, $0x5;
	v12 =	vnsel vm8, $0x0, v0  }
0x2b: {  	v21 =	vnsel vm7, $0x0, v0;
	v23 =	vnsel vm9, $0x0, v0;
	vm7 =	veq.s32 v20, $0xD  }
0x2c: {  	v7 =	vadd.f32 v22, v7;
	v20 =	vnsel vm10, $0x0, v0;
	v2 =	vadd.f32 v23, v2  }
0x2d: {  	[tilespmem:$0x1030] =	vst v4  }
0x2e: {  	v16 =	vadd.f32 v19, v16;
	[tilespmem:$0x1060] =	vst v7  }
0x2f: {  	v1 =	vadd.f32 v21, v1;
	[tilespmem:$0x10C0] =	vst v2  }
0x30: {  	v60 =	vadd.f32 v17, v8;
	[tilespmem:$0x1010] =	vst v16  }
0x31: {  	v6 =	vadd.f32 v20, v6;
	[tilespmem:$0x1050] =	vst v1  }
0x32: {  	v22 =	vnsel vm4, $0x0, v0;
	v63 =	vadd.f32 v12, v3;
	[tilespmem:$0x10A0] =	vst v60  }
0x33: {  	v55 =	vnsel vm6, $0x0, v0;
	v15 =	vadd.f32 v22, v15;
	[tilespmem:$0x10B0] =	vst v6  }
0x34: {  	v56 =	vnsel vm1, $0x0, v0;
	v18 =	vadd.f32 v55, v18;
	[tilespmem:$0x10F0] =	vst v63  }
0x35: {  	v57 =	vnsel vm2, $0x0, v0;
	v14 =	vadd.f32 v56, v14;
	[tilespmem:$0x1000] =	vst v15  }
0x36: {  	v58 =	vnsel vm0, $0x0, v0;
	v4 =	vadd.f32 v57, v11;
	[tilespmem:$0x1020] =	vst v18  }
0x37: {  	v59 =	vnsel vm5, $0x0, v0;
	v11 =	vadd.f32 v58, v13;
	[tilespmem:$0x1040] =	vst v14  }
0x38: {  	s4 =	sshll.u32 s1, $0x7;
	v62 =	vnsel vm3, $0x0, v0;
	v1 =	vadd.f32 v59, v10;
	[tilespmem:$0x1070] =	vst v4  }
0x39: {  	v61 =	vnsel vm7, $0x0, v0;
	s2 =	sand.u32 $0x800, s2;
	s4 =	sand.u32 $0x380, s4;
	v0 =	vadd.f32 v62, v5;
	[tilespmem:$0x1080] =	vst v11  }
0x3a: {  	s2 =	sor.u32 s4, s2;
	[tilespmem:$0x1090] =	vst v1;
	v1 =	vadd.f32 v61, v9  }
0x3b: {  	s29 =	simm.s32 $0x80;
	s30 =	simm.s32 $0x400;
	s2 =	sshrl.u32 s2, $0x3;
	[tilespmem:$0x10E0] =	vst v0  }
0x3c: {  	s5 =	simm.s32 $0x1000;
	s31 =	simm.s32 $0x1;
	s2 =	sadd.s32 s3, s2;
	[tilespmem:$0x10D0] =	vst v1  }
0x3d: {  	[hbm4b:s2+s29] =	stream.strided.scatter [tilespmem:s5], [sflag:$0x1], $0x100, s30, s29, $0x38;
	[tilespmem:$0x1100] =	vst v63  }
0x3e: {  	_ =	swait.ge [sflag:s31], $0x100  }
0x3f: {  	[sflag:s31] =	ssyncset.done $0x0  }
0x40: {  	[sflag:s31] =	ssyncadd.s32 $0xFFFFFF00  }
0x41: {  	_ =	sfence.sel $0x180000  }
0x42: {  	[bflag:$0x0] =	sbarrier.arrive $0xFFFF  }
0x43: {  	p0 =	sne.s32 s1, $0x0;
	_ =	strace $0x90000047  }
0x44: {  	s0 =	sadd.s32 @!p0 $0x100000, s0;
	[bflag:$0x2] =	sbarrier.arrive $0xFFFF  }
0x45: {  	[sflag:s0] =	ssyncadd.tile.s32 @!p0 $0x1;
	_ =	shalt  }
.Lfunc_end2:
_tile_overlayer_lowered:
.L_overlay_start_2:
0x46: {  	(tag) =	ssettag $0x2  }
0x47: {  	s0 =	rddreg [dreg:$0x0];
	s2 =	stileid.u32  }
0x48: {  	s1 =	rddreg [dreg:$0x1];
	p0 =	sne.s32 s2, $0x0  }
0x49: {  	s3 =	rddreg [dreg:$0x2];
	[bflag:$0x3] =	sbarrier.arrive $0xFFFF;
	s2 =	simm.s32 @!p0 $0x1C01  }
0x4a: {  	[timem:s3], [sflag:s2] =	dma.local @!p0 [hbm:s0], s1  }
0x4b: {  	s0 =	simm.s32 @!p0 $0x1  }
0x4c: {  	_ =	swait.ge @!p0 [sflag:s0], s1  }
0x4d: {  	s1 =	ssub.s32 @!p0 $0x0, s1;
	[sflag:s0] =	ssyncset.done @!p0 $0x0  }
0x4e: {  	[sflag:s0] =	ssyncadd.s32 @!p0 s1  }
0x4f: {  	[bflag:$0x3] =	sbarrier.arrive $0xFFFF  }
0x50: {  	_ =	shalt  }

</sc_bundles>
